<compile_context>
chip_gen: v7x
topology: tpu7x:2x2x1
jax: 0.10.2.dev20260603
libtpu: 0.0.44.dev20260713+nightly
codegen_flags: <defaults>
</compile_context>

<pallas_src>
import functools

import jax
import jax.numpy as jnp
from jax import lax
from jax.experimental import pallas as pl
from jax.experimental.pallas import tpu as pltpu
from jax.experimental.pallas import tpu_sc as plsc

N = 10000
K = 64
F = 128
R = 16
E = N * K

NC = 2
NS = 16
NW = NC * NS
EPW = E // NW
CH = 80
CPW = EPW // CH
NBUF = 5
assert CPW % NBUF == 0


def _gather_body(x_hbm, nb_hbm, out_hbm, idx_v, rows, sems):
    wid = lax.axis_index("s") * NC + lax.axis_index("c")
    base = wid * EPW
    pltpu.sync_copy(nb_hbm.at[wid], idx_v)
    for b in range(NBUF):
        pltpu.async_copy(x_hbm.at[idx_v.at[b]], rows[b], sems[b])

    def body(kk, carry):
        for b in range(NBUF):
            j = kk * NBUF + b
            pltpu.make_async_copy(x_hbm.at[idx_v.at[j]], rows[b], sems[b]).wait()
            pltpu.sync_copy(rows[b], out_hbm.at[pl.ds(base + j * CH, CH)])

            @pl.when(j + NBUF < CPW)
            def _():
                pltpu.async_copy(x_hbm.at[idx_v.at[j + NBUF]], rows[b], sems[b])

        return carry

    lax.fori_loop(0, CPW // NBUF, body, 0)


def _gather_entry(x_hbm, nb_hbm, out_hbm, idx_v, *bufs):
    rows = bufs[:NBUF]
    sems = bufs[NBUF:]
    _gather_body(x_hbm, nb_hbm, out_hbm, idx_v, rows, sems)


@functools.cache
def _sc_gather_kernel():
    return pl.kernel(
        _gather_entry,
        out_type=jax.ShapeDtypeStruct((E, F), jnp.float32),
        mesh=plsc.VectorSubcoreMesh(
            core_axis_name="c", subcore_axis_name="s", num_cores=NC, num_subcores=NS
        ),
        scratch_types=[
            pltpu.VMEM((CPW, CH), jnp.int32),
            *[pltpu.VMEM((CH, F), jnp.float32) for _ in range(NBUF)],
            *[pltpu.SemaphoreType.DMA for _ in range(NBUF)],
        ],
    )


TN = 200
GRID = N // TN


_LOG2E = 1.4426950408889634
_LN2 = 0.6931471805599453


def _tc_body(rbf_ref, xj_ref, w1_ref, b1_ref, w2_ref, b2_ref, out_ref):
    rbf2 = rbf_ref[...].reshape(TN * K, R)
    h = jnp.dot(rbf2, w1_ref[...], preferred_element_type=jnp.float32)
    h = h + b1_ref[...]
    h = jnp.log2(1.0 + jnp.exp2(h * _LOG2E)) * _LN2
    w = jnp.dot(h, w2_ref[...], preferred_element_type=jnp.float32)
    w = w + b2_ref[...]
    prod = xj_ref[...] * w
    out_ref[...] = prod.reshape(TN, K, F).sum(axis=1)


def _tc_cfconv(rbf, xj, W1, b1, W2, b2):
    return pl.pallas_call(
        _tc_body,
        grid=(GRID,),
        in_specs=[
            pl.BlockSpec((TN, K, R), lambda i: (i, 0, 0)),
            pl.BlockSpec((TN * K, F), lambda i: (i, 0)),
            pl.BlockSpec((R, F), lambda i: (0, 0)),
            pl.BlockSpec((1, F), lambda i: (0, 0)),
            pl.BlockSpec((F, F), lambda i: (0, 0)),
            pl.BlockSpec((1, F), lambda i: (0, 0)),
        ],
        out_specs=pl.BlockSpec((TN, F), lambda i: (i, 0)),
        out_shape=jax.ShapeDtypeStruct((N, F), jnp.float32),
    )(rbf, xj, W1, b1, W2, b2)


def kernel(x, rbf, neighbors, W1, b1, W2, b2):
    nb = neighbors.astype(jnp.int32).reshape(NW, CPW, CH)
    xj = _sc_gather_kernel()(x, nb)
    return _tc_cfconv(rbf, xj, W1, b1.reshape(1, F), W2, b2.reshape(1, F))

# --- scband reference (transcript-rebuilt; emitter-appended) ---
"""Pipeline reference for scband-cfconv-87677462380692 (READ-ONLY COPY).

The authoritative reference and input builder live on the scoring server;
editing this copy changes nothing except your own understanding.
"""

import jax, jax.numpy as jnp
import numpy as np

N = 10000
K = 64
F_DIM = 128
RBF_DIM = 16

def setup_inputs(seed: int = 0) -> dict:
    key = jax.random.key(seed)
    k1, k2, k3, k4, k5, k6, k7 = jax.random.split(key, 7)
    x = jax.random.normal(k1, (N, F_DIM), dtype=jnp.float32)
    rbf = jax.random.uniform(k2, (N, K, RBF_DIM), dtype=jnp.float32)
    neighbors = jax.random.randint(k3, (N, K), 0, N, dtype=jnp.int64)
    # filter_network params: Linear(rbf_dim, f_dim) -> Softplus -> Linear(f_dim, f_dim)
    s1 = 1.0 / np.sqrt(RBF_DIM)
    s2 = 1.0 / np.sqrt(F_DIM)
    W1 = jax.random.uniform(k4, (RBF_DIM, F_DIM), dtype=jnp.float32, minval=-s1, maxval=s1)
    b1 = jax.random.uniform(k5, (F_DIM,), dtype=jnp.float32, minval=-s1, maxval=s1)
    W2 = jax.random.uniform(k6, (F_DIM, F_DIM), dtype=jnp.float32, minval=-s2, maxval=s2)
    b2 = jax.random.uniform(k7, (F_DIM,), dtype=jnp.float32, minval=-s2, maxval=s2)
    return {"x": x, "rbf": rbf, "neighbors": neighbors, "W1": W1, "b1": b1, "W2": W2, "b2": b2}

def reference(x, rbf, neighbors, W1, b1, W2, b2):
    # filter network on rbf features
    h = jnp.dot(rbf, W1) + b1
    h = jax.nn.softplus(h)
    W = jnp.dot(h, W2) + b2  # [N, K, F]
    # gather neighbor features
    x_j = jnp.take(x, neighbors, axis=0)  # [N, K, F]
    out = x_j * W
    out = out.sum(axis=1)  # [N, F]
    return out

if __name__ == "__main__":
    import jax
    _d = setup_inputs()
    print(jax.jit(kernel)(*tuple(_d.values())))

</pallas_src>

<mosaic_0001>
#map = affine_map<(d0, d1) -> (0, 0)>
#map1 = affine_map<(d0, d1) -> (0, 0, 0)>
module attributes {stable_mosaic.version = 14 : i64} {
  func.func @_gather_entry(%arg0: i32, %arg1: i32, %arg2: memref<10000x128xf32, #tpu.memory_space<hbm>>, %arg3: memref<32x250x80xi32, #tpu.memory_space<hbm>>, %arg4: memref<640000x128xf32, #tpu.memory_space<hbm>>, %arg5: memref<250x80xi32, #tpu.memory_space<vmem>>, %arg6: memref<80x128xf32, #tpu.memory_space<vmem>>, %arg7: memref<80x128xf32, #tpu.memory_space<vmem>>, %arg8: memref<80x128xf32, #tpu.memory_space<vmem>>, %arg9: memref<80x128xf32, #tpu.memory_space<vmem>>, %arg10: memref<80x128xf32, #tpu.memory_space<vmem>>, %arg11: memref<!tpu.dma_semaphore, #tpu.memory_space<semaphore_mem>>, %arg12: memref<!tpu.dma_semaphore, #tpu.memory_space<semaphore_mem>>, %arg13: memref<!tpu.dma_semaphore, #tpu.memory_space<semaphore_mem>>, %arg14: memref<!tpu.dma_semaphore, #tpu.memory_space<semaphore_mem>>, %arg15: memref<!tpu.dma_semaphore, #tpu.memory_space<semaphore_mem>>) attributes {dimension_semantics = [#tpu.dimension_semantics<core_parallel>, #tpu.dimension_semantics<subcore_parallel>], iteration_bounds = array<i64: 2, 16>, scalar_prefetch = 0 : i64, scratch_operands = 11 : i64, tpu.core_type = #tpu.core_type<sc_vector_subcore>, window_params = [{transform_indices = #map}, {transform_indices = #map1}, {transform_indices = #map}]} {
    %mul3A = arith.constant 2 : i32
    %mul3A_0 = arith.muli %arg1, %mul3A : i32
    %add3A = arith.addi %mul3A_0, %arg0 : i32
    %mul3A_1 = arith.constant 20000 : i32
    %mul3A_2 = arith.muli %add3A, %mul3A_1 : i32
    "tpu.region"() ({
      %run_scoped3A = tpu.sem_alloc : memref<!tpu.dma_semaphore, #tpu.memory_space<semaphore_mem>>
      %dma_start3A_42 = arith.constant 0 : i32
      %dma_start3A_43 = arith.constant 0 : i32
      %dma_start3A_44 = tpu.memref_slice %arg3[%add3A, %dma_start3A_42, %dma_start3A_43] : memref<32x250x80xi32, #tpu.memory_space<hbm>> -> memref<1x250x80xi32, #tpu.memory_space<hbm>>
      %dma_start3A_45 = tpu.memref_squeeze %dma_start3A_44 : memref<1x250x80xi32, #tpu.memory_space<hbm>> -> memref<250x80xi32, #tpu.memory_space<hbm>>
      %dma_start3A_46 = arith.constant 0 : i32
      %dma_start3A_47 = arith.constant 0 : i32
      %dma_start3A_48 = tpu.memref_slice %arg3[%add3A, %dma_start3A_46, %dma_start3A_47] : memref<32x250x80xi32, #tpu.memory_space<hbm>> -> memref<1x250x80xi32, #tpu.memory_space<hbm>>
      %dma_start3A_49 = tpu.memref_squeeze %dma_start3A_48 : memref<1x250x80xi32, #tpu.memory_space<hbm>> -> memref<250x80xi32, #tpu.memory_space<hbm>>
      tpu.enqueue_dma source(%dma_start3A_49 : memref<250x80xi32, #tpu.memory_space<hbm>>) target(%arg5 : memref<250x80xi32, #tpu.memory_space<vmem>>) target_semaphore(%run_scoped3A : memref<!tpu.dma_semaphore, #tpu.memory_space<semaphore_mem>>)
      %dma_wait3A = arith.constant 0 : i32
      %dma_wait3A_50 = arith.constant 0 : i32
      %dma_wait3A_51 = tpu.memref_slice %arg3[%add3A, %dma_wait3A, %dma_wait3A_50] : memref<32x250x80xi32, #tpu.memory_space<hbm>> -> memref<1x250x80xi32, #tpu.memory_space<hbm>>
      %dma_wait3A_52 = tpu.memref_squeeze %dma_wait3A_51 : memref<1x250x80xi32, #tpu.memory_space<hbm>> -> memref<250x80xi32, #tpu.memory_space<hbm>>
      %dma_wait3A_53 = arith.constant 0 : i32
      %dma_wait3A_54 = arith.constant 0 : i32
      %dma_wait3A_55 = tpu.memref_slice %arg3[%add3A, %dma_wait3A_53, %dma_wait3A_54] : memref<32x250x80xi32, #tpu.memory_space<hbm>> -> memref<1x250x80xi32, #tpu.memory_space<hbm>>
      %dma_wait3A_56 = tpu.memref_squeeze %dma_wait3A_55 : memref<1x250x80xi32, #tpu.memory_space<hbm>> -> memref<250x80xi32, #tpu.memory_space<hbm>>
      tpu.wait_dma2 semaphore(%run_scoped3A : memref<!tpu.dma_semaphore, #tpu.memory_space<semaphore_mem>>) src(%dma_wait3A_56 : memref<250x80xi32, #tpu.memory_space<hbm>>) dst(%arg5 : memref<250x80xi32, #tpu.memory_space<vmem>>)
      tpu.yield
    }) : () -> ()
    %dma_start3A = arith.constant 0 : i32
    %dma_start3A_3 = arith.constant 0 : i32
    %dma_start3A_4 = tpu.memref_slice %arg5[%dma_start3A, %dma_start3A_3] : memref<250x80xi32, #tpu.memory_space<vmem>> -> memref<1x80xi32, #tpu.memory_space<vmem>>
    %dma_start3A_5 = tpu.memref_squeeze %dma_start3A_4 : memref<1x80xi32, #tpu.memory_space<vmem>> -> memref<80xi32, #tpu.memory_space<vmem>>
    %dma_start3A_6 = arith.constant 0 : i32
    %dma_start3A_7 = arith.constant 0 : i32
    %dma_start3A_8 = tpu.memref_slice %arg2[%dma_start3A_6, %dma_start3A_7] : memref<10000x128xf32, #tpu.memory_space<hbm>> -> memref<10000x128xf32, #tpu.memory_space<hbm>>
    tpu.enqueue_indirect_dma source(%dma_start3A_8 : memref<10000x128xf32, #tpu.memory_space<hbm>>) target(%arg6 : memref<80x128xf32, #tpu.memory_space<vmem>>) offsets(%dma_start3A_5 : memref<80xi32, #tpu.memory_space<vmem>>) semaphore(%arg11 : memref<!tpu.dma_semaphore, #tpu.memory_space<semaphore_mem>>)
    %dma_start3A_9 = arith.constant 1 : i32
    %dma_start3A_10 = arith.constant 0 : i32
    %dma_start3A_11 = tpu.memref_slice %arg5[%dma_start3A_9, %dma_start3A_10] : memref<250x80xi32, #tpu.memory_space<vmem>> -> memref<1x80xi32, #tpu.memory_space<vmem>>
    %dma_start3A_12 = tpu.memref_squeeze %dma_start3A_11 : memref<1x80xi32, #tpu.memory_space<vmem>> -> memref<80xi32, #tpu.memory_space<vmem>>
    %dma_start3A_13 = arith.constant 0 : i32
    %dma_start3A_14 = arith.constant 0 : i32
    %dma_start3A_15 = tpu.memref_slice %arg2[%dma_start3A_13, %dma_start3A_14] : memref<10000x128xf32, #tpu.memory_space<hbm>> -> memref<10000x128xf32, #tpu.memory_space<hbm>>
    tpu.enqueue_indirect_dma source(%dma_start3A_15 : memref<10000x128xf32, #tpu.memory_space<hbm>>) target(%arg7 : memref<80x128xf32, #tpu.memory_space<vmem>>) offsets(%dma_start3A_12 : memref<80xi32, #tpu.memory_space<vmem>>) semaphore(%arg12 : memref<!tpu.dma_semaphore, #tpu.memory_space<semaphore_mem>>)
    %dma_start3A_16 = arith.constant 2 : i32
    %dma_start3A_17 = arith.constant 0 : i32
    %dma_start3A_18 = tpu.memref_slice %arg5[%dma_start3A_16, %dma_start3A_17] : memref<250x80xi32, #tpu.memory_space<vmem>> -> memref<1x80xi32, #tpu.memory_space<vmem>>
    %dma_start3A_19 = tpu.memref_squeeze %dma_start3A_18 : memref<1x80xi32, #tpu.memory_space<vmem>> -> memref<80xi32, #tpu.memory_space<vmem>>
    %dma_start3A_20 = arith.constant 0 : i32
    %dma_start3A_21 = arith.constant 0 : i32
    %dma_start3A_22 = tpu.memref_slice %arg2[%dma_start3A_20, %dma_start3A_21] : memref<10000x128xf32, #tpu.memory_space<hbm>> -> memref<10000x128xf32, #tpu.memory_space<hbm>>
    tpu.enqueue_indirect_dma source(%dma_start3A_22 : memref<10000x128xf32, #tpu.memory_space<hbm>>) target(%arg8 : memref<80x128xf32, #tpu.memory_space<vmem>>) offsets(%dma_start3A_19 : memref<80xi32, #tpu.memory_space<vmem>>) semaphore(%arg13 : memref<!tpu.dma_semaphore, #tpu.memory_space<semaphore_mem>>)
    %dma_start3A_23 = arith.constant 3 : i32
    %dma_start3A_24 = arith.constant 0 : i32
    %dma_start3A_25 = tpu.memref_slice %arg5[%dma_start3A_23, %dma_start3A_24] : memref<250x80xi32, #tpu.memory_space<vmem>> -> memref<1x80xi32, #tpu.memory_space<vmem>>
    %dma_start3A_26 = tpu.memref_squeeze %dma_start3A_25 : memref<1x80xi32, #tpu.memory_space<vmem>> -> memref<80xi32, #tpu.memory_space<vmem>>
    %dma_start3A_27 = arith.constant 0 : i32
    %dma_start3A_28 = arith.constant 0 : i32
    %dma_start3A_29 = tpu.memref_slice %arg2[%dma_start3A_27, %dma_start3A_28] : memref<10000x128xf32, #tpu.memory_space<hbm>> -> memref<10000x128xf32, #tpu.memory_space<hbm>>
    tpu.enqueue_indirect_dma source(%dma_start3A_29 : memref<10000x128xf32, #tpu.memory_space<hbm>>) target(%arg9 : memref<80x128xf32, #tpu.memory_space<vmem>>) offsets(%dma_start3A_26 : memref<80xi32, #tpu.memory_space<vmem>>) semaphore(%arg14 : memref<!tpu.dma_semaphore, #tpu.memory_space<semaphore_mem>>)
    %dma_start3A_30 = arith.constant 4 : i32
    %dma_start3A_31 = arith.constant 0 : i32
    %dma_start3A_32 = tpu.memref_slice %arg5[%dma_start3A_30, %dma_start3A_31] : memref<250x80xi32, #tpu.memory_space<vmem>> -> memref<1x80xi32, #tpu.memory_space<vmem>>
    %dma_start3A_33 = tpu.memref_squeeze %dma_start3A_32 : memref<1x80xi32, #tpu.memory_space<vmem>> -> memref<80xi32, #tpu.memory_space<vmem>>
    %dma_start3A_34 = arith.constant 0 : i32
    %dma_start3A_35 = arith.constant 0 : i32
    %dma_start3A_36 = tpu.memref_slice %arg2[%dma_start3A_34, %dma_start3A_35] : memref<10000x128xf32, #tpu.memory_space<hbm>> -> memref<10000x128xf32, #tpu.memory_space<hbm>>
    tpu.enqueue_indirect_dma source(%dma_start3A_36 : memref<10000x128xf32, #tpu.memory_space<hbm>>) target(%arg10 : memref<80x128xf32, #tpu.memory_space<vmem>>) offsets(%dma_start3A_33 : memref<80xi32, #tpu.memory_space<vmem>>) semaphore(%arg15 : memref<!tpu.dma_semaphore, #tpu.memory_space<semaphore_mem>>)
    %scan3A = arith.constant 0 : i32
    %scan3A_37 = arith.constant 0 : i32
    %scan3A_38 = arith.constant 50 : i32
    %scan3A_39 = arith.addi %scan3A_37, %scan3A_38 : i32
    %scan3A_40 = arith.constant 1 : i32
    scf.for %scan3A_42 = %scan3A_37 to %scan3A_39 step %scan3A_40  : i32 {
      %mul3A_43 = arith.constant 5 : i32
      %mul3A_44 = arith.muli %scan3A_42, %mul3A_43 : i32
      %add3A_45 = arith.constant 0 : i32
      %add3A_46 = arith.addi %mul3A_44, %add3A_45 : i32
      %dma_wait3A = arith.constant 0 : i32
      %dma_wait3A_47 = tpu.memref_slice %arg5[%add3A_46, %dma_wait3A] : memref<250x80xi32, #tpu.memory_space<vmem>> -> memref<1x80xi32, #tpu.memory_space<vmem>>
      %dma_wait3A_48 = tpu.memref_squeeze %dma_wait3A_47 : memref<1x80xi32, #tpu.memory_space<vmem>> -> memref<80xi32, #tpu.memory_space<vmem>>
      %dma_wait3A_49 = arith.constant 0 : i32
      %dma_wait3A_50 = arith.constant 0 : i32
      %dma_wait3A_51 = tpu.memref_slice %arg2[%dma_wait3A_49, %dma_wait3A_50] : memref<10000x128xf32, #tpu.memory_space<hbm>> -> memref<10000x128xf32, #tpu.memory_space<hbm>>
      tpu.wait_indirect_dma semaphore(%arg11 : memref<!tpu.dma_semaphore, #tpu.memory_space<semaphore_mem>>) src(%dma_wait3A_51 : memref<10000x128xf32, #tpu.memory_space<hbm>>) dst(%arg6 : memref<80x128xf32, #tpu.memory_space<vmem>>)
      %mul3A_52 = arith.constant 80 : i32
      %mul3A_53 = arith.muli %add3A_46, %mul3A_52 : i32
      %add3A_54 = arith.addi %mul3A_2, %mul3A_53 : i32
      "tpu.region"() ({
        %run_scoped3A = tpu.sem_alloc : memref<!tpu.dma_semaphore, #tpu.memory_space<semaphore_mem>>
        %dma_start3A_139 = arith.constant 0 : i32
        %dma_start3A_140 = tpu.memref_slice %arg4[%add3A_54, %dma_start3A_139] : memref<640000x128xf32, #tpu.memory_space<hbm>> -> memref<80x128xf32, #tpu.memory_space<hbm>>
        %dma_start3A_141 = arith.constant 0 : i32
        %dma_start3A_142 = tpu.memref_slice %arg4[%add3A_54, %dma_start3A_141] : memref<640000x128xf32, #tpu.memory_space<hbm>> -> memref<80x128xf32, #tpu.memory_space<hbm>>
        tpu.enqueue_dma source(%arg6 : memref<80x128xf32, #tpu.memory_space<vmem>>) target(%dma_start3A_142 : memref<80x128xf32, #tpu.memory_space<hbm>>) target_semaphore(%run_scoped3A : memref<!tpu.dma_semaphore, #tpu.memory_space<semaphore_mem>>)
        %dma_wait3A_143 = arith.constant 0 : i32
        %dma_wait3A_144 = tpu.memref_slice %arg4[%add3A_54, %dma_wait3A_143] : memref<640000x128xf32, #tpu.memory_space<hbm>> -> memref<80x128xf32, #tpu.memory_space<hbm>>
        %dma_wait3A_145 = arith.constant 0 : i32
        %dma_wait3A_146 = tpu.memref_slice %arg4[%add3A_54, %dma_wait3A_145] : memref<640000x128xf32, #tpu.memory_space<hbm>> -> memref<80x128xf32, #tpu.memory_space<hbm>>
        tpu.wait_dma2 semaphore(%run_scoped3A : memref<!tpu.dma_semaphore, #tpu.memory_space<semaphore_mem>>) src(%arg6 : memref<80x128xf32, #tpu.memory_space<vmem>>) dst(%dma_wait3A_146 : memref<80x128xf32, #tpu.memory_space<hbm>>)
        tpu.yield
      }) : () -> ()
      %add3A_55 = arith.constant 5 : i32
      %add3A_56 = arith.addi %add3A_46, %add3A_55 : i32
      %lt3A = arith.constant 250 : i32
      %lt3A_57 = arith.cmpi slt, %add3A_56, %lt3A : i32
      %convert_element_type3A = arith.extui %lt3A_57 : i1 to i32
      %cond3A = arith.constant 0 : i32
      %cond3A_58 = arith.cmpi ne, %convert_element_type3A, %cond3A : i32
      scf.if %cond3A_58 {
        %add3A_139 = arith.constant 5 : i32
        %add3A_140 = arith.addi %add3A_46, %add3A_139 : i32
        %dma_start3A_141 = arith.constant 0 : i32
        %dma_start3A_142 = tpu.memref_slice %arg5[%add3A_140, %dma_start3A_141] : memref<250x80xi32, #tpu.memory_space<vmem>> -> memref<1x80xi32, #tpu.memory_space<vmem>>
        %dma_start3A_143 = tpu.memref_squeeze %dma_start3A_142 : memref<1x80xi32, #tpu.memory_space<vmem>> -> memref<80xi32, #tpu.memory_space<vmem>>
        %dma_start3A_144 = arith.constant 0 : i32
        %dma_start3A_145 = arith.constant 0 : i32
        %dma_start3A_146 = tpu.memref_slice %arg2[%dma_start3A_144, %dma_start3A_145] : memref<10000x128xf32, #tpu.memory_space<hbm>> -> memref<10000x128xf32, #tpu.memory_space<hbm>>
        tpu.enqueue_indirect_dma source(%dma_start3A_146 : memref<10000x128xf32, #tpu.memory_space<hbm>>) target(%arg6 : memref<80x128xf32, #tpu.memory_space<vmem>>) offsets(%dma_start3A_143 : memref<80xi32, #tpu.memory_space<vmem>>) semaphore(%arg11 : memref<!tpu.dma_semaphore, #tpu.memory_space<semaphore_mem>>)
      } else {
      }
      %mul3A_59 = arith.constant 5 : i32
      %mul3A_60 = arith.muli %scan3A_42, %mul3A_59 : i32
      %add3A_61 = arith.constant 1 : i32
      %add3A_62 = arith.addi %mul3A_60, %add3A_61 : i32
      %dma_wait3A_63 = arith.constant 0 : i32
      %dma_wait3A_64 = tpu.memref_slice %arg5[%add3A_62, %dma_wait3A_63] : memref<250x80xi32, #tpu.memory_space<vmem>> -> memref<1x80xi32, #tpu.memory_space<vmem>>
      %dma_wait3A_65 = tpu.memref_squeeze %dma_wait3A_64 : memref<1x80xi32, #tpu.memory_space<vmem>> -> memref<80xi32, #tpu.memory_space<vmem>>
      %dma_wait3A_66 = arith.constant 0 : i32
      %dma_wait3A_67 = arith.constant 0 : i32
      %dma_wait3A_68 = tpu.memref_slice %arg2[%dma_wait3A_66, %dma_wait3A_67] : memref<10000x128xf32, #tpu.memory_space<hbm>> -> memref<10000x128xf32, #tpu.memory_space<hbm>>
      tpu.wait_indirect_dma semaphore(%arg12 : memref<!tpu.dma_semaphore, #tpu.memory_space<semaphore_mem>>) src(%dma_wait3A_68 : memref<10000x128xf32, #tpu.memory_space<hbm>>) dst(%arg7 : memref<80x128xf32, #tpu.memory_space<vmem>>)
      %mul3A_69 = arith.constant 80 : i32
      %mul3A_70 = arith.muli %add3A_62, %mul3A_69 : i32
      %add3A_71 = arith.addi %mul3A_2, %mul3A_70 : i32
      "tpu.region"() ({
        %run_scoped3A = tpu.sem_alloc : memref<!tpu.dma_semaphore, #tpu.memory_space<semaphore_mem>>
        %dma_start3A_139 = arith.constant 0 : i32
        %dma_start3A_140 = tpu.memref_slice %arg4[%add3A_71, %dma_start3A_139] : memref<640000x128xf32, #tpu.memory_space<hbm>> -> memref<80x128xf32, #tpu.memory_space<hbm>>
        %dma_start3A_141 = arith.constant 0 : i32
        %dma_start3A_142 = tpu.memref_slice %arg4[%add3A_71, %dma_start3A_141] : memref<640000x128xf32, #tpu.memory_space<hbm>> -> memref<80x128xf32, #tpu.memory_space<hbm>>
        tpu.enqueue_dma source(%arg7 : memref<80x128xf32, #tpu.memory_space<vmem>>) target(%dma_start3A_142 : memref<80x128xf32, #tpu.memory_space<hbm>>) target_semaphore(%run_scoped3A : memref<!tpu.dma_semaphore, #tpu.memory_space<semaphore_mem>>)
        %dma_wait3A_143 = arith.constant 0 : i32
        %dma_wait3A_144 = tpu.memref_slice %arg4[%add3A_71, %dma_wait3A_143] : memref<640000x128xf32, #tpu.memory_space<hbm>> -> memref<80x128xf32, #tpu.memory_space<hbm>>
        %dma_wait3A_145 = arith.constant 0 : i32
        %dma_wait3A_146 = tpu.memref_slice %arg4[%add3A_71, %dma_wait3A_145] : memref<640000x128xf32, #tpu.memory_space<hbm>> -> memref<80x128xf32, #tpu.memory_space<hbm>>
        tpu.wait_dma2 semaphore(%run_scoped3A : memref<!tpu.dma_semaphore, #tpu.memory_space<semaphore_mem>>) src(%arg7 : memref<80x128xf32, #tpu.memory_space<vmem>>) dst(%dma_wait3A_146 : memref<80x128xf32, #tpu.memory_space<hbm>>)
        tpu.yield
      }) : () -> ()
      %add3A_72 = arith.constant 5 : i32
      %add3A_73 = arith.addi %add3A_62, %add3A_72 : i32
      %lt3A_74 = arith.constant 250 : i32
      %lt3A_75 = arith.cmpi slt, %add3A_73, %lt3A_74 : i32
      %convert_element_type3A_76 = arith.extui %lt3A_75 : i1 to i32
      %cond3A_77 = arith.constant 0 : i32
      %cond3A_78 = arith.cmpi ne, %convert_element_type3A_76, %cond3A_77 : i32
      scf.if %cond3A_78 {
        %add3A_139 = arith.constant 5 : i32
        %add3A_140 = arith.addi %add3A_62, %add3A_139 : i32
        %dma_start3A_141 = arith.constant 0 : i32
        %dma_start3A_142 = tpu.memref_slice %arg5[%add3A_140, %dma_start3A_141] : memref<250x80xi32, #tpu.memory_space<vmem>> -> memref<1x80xi32, #tpu.memory_space<vmem>>
        %dma_start3A_143 = tpu.memref_squeeze %dma_start3A_142 : memref<1x80xi32, #tpu.memory_space<vmem>> -> memref<80xi32, #tpu.memory_space<vmem>>
        %dma_start3A_144 = arith.constant 0 : i32
        %dma_start3A_145 = arith.constant 0 : i32
        %dma_start3A_146 = tpu.memref_slice %arg2[%dma_start3A_144, %dma_start3A_145] : memref<10000x128xf32, #tpu.memory_space<hbm>> -> memref<10000x128xf32, #tpu.memory_space<hbm>>
        tpu.enqueue_indirect_dma source(%dma_start3A_146 : memref<10000x128xf32, #tpu.memory_space<hbm>>) target(%arg7 : memref<80x128xf32, #tpu.memory_space<vmem>>) offsets(%dma_start3A_143 : memref<80xi32, #tpu.memory_space<vmem>>) semaphore(%arg12 : memref<!tpu.dma_semaphore, #tpu.memory_space<semaphore_mem>>)
      } else {
      }
      %mul3A_79 = arith.constant 5 : i32
      %mul3A_80 = arith.muli %scan3A_42, %mul3A_79 : i32
      %add3A_81 = arith.constant 2 : i32
      %add3A_82 = arith.addi %mul3A_80, %add3A_81 : i32
      %dma_wait3A_83 = arith.constant 0 : i32
      %dma_wait3A_84 = tpu.memref_slice %arg5[%add3A_82, %dma_wait3A_83] : memref<250x80xi32, #tpu.memory_space<vmem>> -> memref<1x80xi32, #tpu.memory_space<vmem>>
      %dma_wait3A_85 = tpu.memref_squeeze %dma_wait3A_84 : memref<1x80xi32, #tpu.memory_space<vmem>> -> memref<80xi32, #tpu.memory_space<vmem>>
      %dma_wait3A_86 = arith.constant 0 : i32
      %dma_wait3A_87 = arith.constant 0 : i32
      %dma_wait3A_88 = tpu.memref_slice %arg2[%dma_wait3A_86, %dma_wait3A_87] : memref<10000x128xf32, #tpu.memory_space<hbm>> -> memref<10000x128xf32, #tpu.memory_space<hbm>>
      tpu.wait_indirect_dma semaphore(%arg13 : memref<!tpu.dma_semaphore, #tpu.memory_space<semaphore_mem>>) src(%dma_wait3A_88 : memref<10000x128xf32, #tpu.memory_space<hbm>>) dst(%arg8 : memref<80x128xf32, #tpu.memory_space<vmem>>)
      %mul3A_89 = arith.constant 80 : i32
      %mul3A_90 = arith.muli %add3A_82, %mul3A_89 : i32
      %add3A_91 = arith.addi %mul3A_2, %mul3A_90 : i32
      "tpu.region"() ({
        %run_scoped3A = tpu.sem_alloc : memref<!tpu.dma_semaphore, #tpu.memory_space<semaphore_mem>>
        %dma_start3A_139 = arith.constant 0 : i32
        %dma_start3A_140 = tpu.memref_slice %arg4[%add3A_91, %dma_start3A_139] : memref<640000x128xf32, #tpu.memory_space<hbm>> -> memref<80x128xf32, #tpu.memory_space<hbm>>
        %dma_start3A_141 = arith.constant 0 : i32
        %dma_start3A_142 = tpu.memref_slice %arg4[%add3A_91, %dma_start3A_141] : memref<640000x128xf32, #tpu.memory_space<hbm>> -> memref<80x128xf32, #tpu.memory_space<hbm>>
        tpu.enqueue_dma source(%arg8 : memref<80x128xf32, #tpu.memory_space<vmem>>) target(%dma_start3A_142 : memref<80x128xf32, #tpu.memory_space<hbm>>) target_semaphore(%run_scoped3A : memref<!tpu.dma_semaphore, #tpu.memory_space<semaphore_mem>>)
        %dma_wait3A_143 = arith.constant 0 : i32
        %dma_wait3A_144 = tpu.memref_slice %arg4[%add3A_91, %dma_wait3A_143] : memref<640000x128xf32, #tpu.memory_space<hbm>> -> memref<80x128xf32, #tpu.memory_space<hbm>>
        %dma_wait3A_145 = arith.constant 0 : i32
        %dma_wait3A_146 = tpu.memref_slice %arg4[%add3A_91, %dma_wait3A_145] : memref<640000x128xf32, #tpu.memory_space<hbm>> -> memref<80x128xf32, #tpu.memory_space<hbm>>
        tpu.wait_dma2 semaphore(%run_scoped3A : memref<!tpu.dma_semaphore, #tpu.memory_space<semaphore_mem>>) src(%arg8 : memref<80x128xf32, #tpu.memory_space<vmem>>) dst(%dma_wait3A_146 : memref<80x128xf32, #tpu.memory_space<hbm>>)
        tpu.yield
      }) : () -> ()
      %add3A_92 = arith.constant 5 : i32
      %add3A_93 = arith.addi %add3A_82, %add3A_92 : i32
      %lt3A_94 = arith.constant 250 : i32
      %lt3A_95 = arith.cmpi slt, %add3A_93, %lt3A_94 : i32
      %convert_element_type3A_96 = arith.extui %lt3A_95 : i1 to i32
      %cond3A_97 = arith.constant 0 : i32
      %cond3A_98 = arith.cmpi ne, %convert_element_type3A_96, %cond3A_97 : i32
      scf.if %cond3A_98 {
        %add3A_139 = arith.constant 5 : i32
        %add3A_140 = arith.addi %add3A_82, %add3A_139 : i32
        %dma_start3A_141 = arith.constant 0 : i32
        %dma_start3A_142 = tpu.memref_slice %arg5[%add3A_140, %dma_start3A_141] : memref<250x80xi32, #tpu.memory_space<vmem>> -> memref<1x80xi32, #tpu.memory_space<vmem>>
        %dma_start3A_143 = tpu.memref_squeeze %dma_start3A_142 : memref<1x80xi32, #tpu.memory_space<vmem>> -> memref<80xi32, #tpu.memory_space<vmem>>
        %dma_start3A_144 = arith.constant 0 : i32
        %dma_start3A_145 = arith.constant 0 : i32
        %dma_start3A_146 = tpu.memref_slice %arg2[%dma_start3A_144, %dma_start3A_145] : memref<10000x128xf32, #tpu.memory_space<hbm>> -> memref<10000x128xf32, #tpu.memory_space<hbm>>
        tpu.enqueue_indirect_dma source(%dma_start3A_146 : memref<10000x128xf32, #tpu.memory_space<hbm>>) target(%arg8 : memref<80x128xf32, #tpu.memory_space<vmem>>) offsets(%dma_start3A_143 : memref<80xi32, #tpu.memory_space<vmem>>) semaphore(%arg13 : memref<!tpu.dma_semaphore, #tpu.memory_space<semaphore_mem>>)
      } else {
      }
      %mul3A_99 = arith.constant 5 : i32
      %mul3A_100 = arith.muli %scan3A_42, %mul3A_99 : i32
      %add3A_101 = arith.constant 3 : i32
      %add3A_102 = arith.addi %mul3A_100, %add3A_101 : i32
      %dma_wait3A_103 = arith.constant 0 : i32
      %dma_wait3A_104 = tpu.memref_slice %arg5[%add3A_102, %dma_wait3A_103] : memref<250x80xi32, #tpu.memory_space<vmem>> -> memref<1x80xi32, #tpu.memory_space<vmem>>
      %dma_wait3A_105 = tpu.memref_squeeze %dma_wait3A_104 : memref<1x80xi32, #tpu.memory_space<vmem>> -> memref<80xi32, #tpu.memory_space<vmem>>
      %dma_wait3A_106 = arith.constant 0 : i32
      %dma_wait3A_107 = arith.constant 0 : i32
      %dma_wait3A_108 = tpu.memref_slice %arg2[%dma_wait3A_106, %dma_wait3A_107] : memref<10000x128xf32, #tpu.memory_space<hbm>> -> memref<10000x128xf32, #tpu.memory_space<hbm>>
      tpu.wait_indirect_dma semaphore(%arg14 : memref<!tpu.dma_semaphore, #tpu.memory_space<semaphore_mem>>) src(%dma_wait3A_108 : memref<10000x128xf32, #tpu.memory_space<hbm>>) dst(%arg9 : memref<80x128xf32, #tpu.memory_space<vmem>>)
      %mul3A_109 = arith.constant 80 : i32
      %mul3A_110 = arith.muli %add3A_102, %mul3A_109 : i32
      %add3A_111 = arith.addi %mul3A_2, %mul3A_110 : i32
      "tpu.region"() ({
        %run_scoped3A = tpu.sem_alloc : memref<!tpu.dma_semaphore, #tpu.memory_space<semaphore_mem>>
        %dma_start3A_139 = arith.constant 0 : i32
        %dma_start3A_140 = tpu.memref_slice %arg4[%add3A_111, %dma_start3A_139] : memref<640000x128xf32, #tpu.memory_space<hbm>> -> memref<80x128xf32, #tpu.memory_space<hbm>>
        %dma_start3A_141 = arith.constant 0 : i32
        %dma_start3A_142 = tpu.memref_slice %arg4[%add3A_111, %dma_start3A_141] : memref<640000x128xf32, #tpu.memory_space<hbm>> -> memref<80x128xf32, #tpu.memory_space<hbm>>
        tpu.enqueue_dma source(%arg9 : memref<80x128xf32, #tpu.memory_space<vmem>>) target(%dma_start3A_142 : memref<80x128xf32, #tpu.memory_space<hbm>>) target_semaphore(%run_scoped3A : memref<!tpu.dma_semaphore, #tpu.memory_space<semaphore_mem>>)
        %dma_wait3A_143 = arith.constant 0 : i32
        %dma_wait3A_144 = tpu.memref_slice %arg4[%add3A_111, %dma_wait3A_143] : memref<640000x128xf32, #tpu.memory_space<hbm>> -> memref<80x128xf32, #tpu.memory_space<hbm>>
        %dma_wait3A_145 = arith.constant 0 : i32
        %dma_wait3A_146 = tpu.memref_slice %arg4[%add3A_111, %dma_wait3A_145] : memref<640000x128xf32, #tpu.memory_space<hbm>> -> memref<80x128xf32, #tpu.memory_space<hbm>>
        tpu.wait_dma2 semaphore(%run_scoped3A : memref<!tpu.dma_semaphore, #tpu.memory_space<semaphore_mem>>) src(%arg9 : memref<80x128xf32, #tpu.memory_space<vmem>>) dst(%dma_wait3A_146 : memref<80x128xf32, #tpu.memory_space<hbm>>)
        tpu.yield
      }) : () -> ()
      %add3A_112 = arith.constant 5 : i32
      %add3A_113 = arith.addi %add3A_102, %add3A_112 : i32
      %lt3A_114 = arith.constant 250 : i32
      %lt3A_115 = arith.cmpi slt, %add3A_113, %lt3A_114 : i32
      %convert_element_type3A_116 = arith.extui %lt3A_115 : i1 to i32
      %cond3A_117 = arith.constant 0 : i32
      %cond3A_118 = arith.cmpi ne, %convert_element_type3A_116, %cond3A_117 : i32
      scf.if %cond3A_118 {
        %add3A_139 = arith.constant 5 : i32
        %add3A_140 = arith.addi %add3A_102, %add3A_139 : i32
        %dma_start3A_141 = arith.constant 0 : i32
        %dma_start3A_142 = tpu.memref_slice %arg5[%add3A_140, %dma_start3A_141] : memref<250x80xi32, #tpu.memory_space<vmem>> -> memref<1x80xi32, #tpu.memory_space<vmem>>
        %dma_start3A_143 = tpu.memref_squeeze %dma_start3A_142 : memref<1x80xi32, #tpu.memory_space<vmem>> -> memref<80xi32, #tpu.memory_space<vmem>>
        %dma_start3A_144 = arith.constant 0 : i32
        %dma_start3A_145 = arith.constant 0 : i32
        %dma_start3A_146 = tpu.memref_slice %arg2[%dma_start3A_144, %dma_start3A_145] : memref<10000x128xf32, #tpu.memory_space<hbm>> -> memref<10000x128xf32, #tpu.memory_space<hbm>>
        tpu.enqueue_indirect_dma source(%dma_start3A_146 : memref<10000x128xf32, #tpu.memory_space<hbm>>) target(%arg9 : memref<80x128xf32, #tpu.memory_space<vmem>>) offsets(%dma_start3A_143 : memref<80xi32, #tpu.memory_space<vmem>>) semaphore(%arg14 : memref<!tpu.dma_semaphore, #tpu.memory_space<semaphore_mem>>)
      } else {
      }
      %mul3A_119 = arith.constant 5 : i32
      %mul3A_120 = arith.muli %scan3A_42, %mul3A_119 : i32
      %add3A_121 = arith.constant 4 : i32
      %add3A_122 = arith.addi %mul3A_120, %add3A_121 : i32
      %dma_wait3A_123 = arith.constant 0 : i32
      %dma_wait3A_124 = tpu.memref_slice %arg5[%add3A_122, %dma_wait3A_123] : memref<250x80xi32, #tpu.memory_space<vmem>> -> memref<1x80xi32, #tpu.memory_space<vmem>>
      %dma_wait3A_125 = tpu.memref_squeeze %dma_wait3A_124 : memref<1x80xi32, #tpu.memory_space<vmem>> -> memref<80xi32, #tpu.memory_space<vmem>>
      %dma_wait3A_126 = arith.constant 0 : i32
      %dma_wait3A_127 = arith.constant 0 : i32
      %dma_wait3A_128 = tpu.memref_slice %arg2[%dma_wait3A_126, %dma_wait3A_127] : memref<10000x128xf32, #tpu.memory_space<hbm>> -> memref<10000x128xf32, #tpu.memory_space<hbm>>
      tpu.wait_indirect_dma semaphore(%arg15 : memref<!tpu.dma_semaphore, #tpu.memory_space<semaphore_mem>>) src(%dma_wait3A_128 : memref<10000x128xf32, #tpu.memory_space<hbm>>) dst(%arg10 : memref<80x128xf32, #tpu.memory_space<vmem>>)
      %mul3A_129 = arith.constant 80 : i32
      %mul3A_130 = arith.muli %add3A_122, %mul3A_129 : i32
      %add3A_131 = arith.addi %mul3A_2, %mul3A_130 : i32
      "tpu.region"() ({
        %run_scoped3A = tpu.sem_alloc : memref<!tpu.dma_semaphore, #tpu.memory_space<semaphore_mem>>
        %dma_start3A_139 = arith.constant 0 : i32
        %dma_start3A_140 = tpu.memref_slice %arg4[%add3A_131, %dma_start3A_139] : memref<640000x128xf32, #tpu.memory_space<hbm>> -> memref<80x128xf32, #tpu.memory_space<hbm>>
        %dma_start3A_141 = arith.constant 0 : i32
        %dma_start3A_142 = tpu.memref_slice %arg4[%add3A_131, %dma_start3A_141] : memref<640000x128xf32, #tpu.memory_space<hbm>> -> memref<80x128xf32, #tpu.memory_space<hbm>>
        tpu.enqueue_dma source(%arg10 : memref<80x128xf32, #tpu.memory_space<vmem>>) target(%dma_start3A_142 : memref<80x128xf32, #tpu.memory_space<hbm>>) target_semaphore(%run_scoped3A : memref<!tpu.dma_semaphore, #tpu.memory_space<semaphore_mem>>)
        %dma_wait3A_143 = arith.constant 0 : i32
        %dma_wait3A_144 = tpu.memref_slice %arg4[%add3A_131, %dma_wait3A_143] : memref<640000x128xf32, #tpu.memory_space<hbm>> -> memref<80x128xf32, #tpu.memory_space<hbm>>
        %dma_wait3A_145 = arith.constant 0 : i32
        %dma_wait3A_146 = tpu.memref_slice %arg4[%add3A_131, %dma_wait3A_145] : memref<640000x128xf32, #tpu.memory_space<hbm>> -> memref<80x128xf32, #tpu.memory_space<hbm>>
        tpu.wait_dma2 semaphore(%run_scoped3A : memref<!tpu.dma_semaphore, #tpu.memory_space<semaphore_mem>>) src(%arg10 : memref<80x128xf32, #tpu.memory_space<vmem>>) dst(%dma_wait3A_146 : memref<80x128xf32, #tpu.memory_space<hbm>>)
        tpu.yield
      }) : () -> ()
      %add3A_132 = arith.constant 5 : i32
      %add3A_133 = arith.addi %add3A_122, %add3A_132 : i32
      %lt3A_134 = arith.constant 250 : i32
      %lt3A_135 = arith.cmpi slt, %add3A_133, %lt3A_134 : i32
      %convert_element_type3A_136 = arith.extui %lt3A_135 : i1 to i32
      %cond3A_137 = arith.constant 0 : i32
      %cond3A_138 = arith.cmpi ne, %convert_element_type3A_136, %cond3A_137 : i32
      scf.if %cond3A_138 {
        %add3A_139 = arith.constant 5 : i32
        %add3A_140 = arith.addi %add3A_122, %add3A_139 : i32
        %dma_start3A_141 = arith.constant 0 : i32
        %dma_start3A_142 = tpu.memref_slice %arg5[%add3A_140, %dma_start3A_141] : memref<250x80xi32, #tpu.memory_space<vmem>> -> memref<1x80xi32, #tpu.memory_space<vmem>>
        %dma_start3A_143 = tpu.memref_squeeze %dma_start3A_142 : memref<1x80xi32, #tpu.memory_space<vmem>> -> memref<80xi32, #tpu.memory_space<vmem>>
        %dma_start3A_144 = arith.constant 0 : i32
        %dma_start3A_145 = arith.constant 0 : i32
        %dma_start3A_146 = tpu.memref_slice %arg2[%dma_start3A_144, %dma_start3A_145] : memref<10000x128xf32, #tpu.memory_space<hbm>> -> memref<10000x128xf32, #tpu.memory_space<hbm>>
        tpu.enqueue_indirect_dma source(%dma_start3A_146 : memref<10000x128xf32, #tpu.memory_space<hbm>>) target(%arg10 : memref<80x128xf32, #tpu.memory_space<vmem>>) offsets(%dma_start3A_143 : memref<80xi32, #tpu.memory_space<vmem>>) semaphore(%arg15 : memref<!tpu.dma_semaphore, #tpu.memory_space<semaphore_mem>>)
      } else {
      }
    }
    %scan3A_41 = arith.constant 50 : i32
    return
  }
}

module attributes {stable_mosaic.version = 14 : i64} {
  func.func @_tc_body(%arg0: i32, %arg1: memref<200x64x16xf32, #tpu.memory_space<vmem>>, %arg2: memref<12800x128xf32, #tpu.memory_space<vmem>>, %arg3: memref<16x128xf32, #tpu.memory_space<vmem>>, %arg4: memref<1x128xf32, #tpu.memory_space<vmem>>, %arg5: memref<128x128xf32, #tpu.memory_space<vmem>>, %arg6: memref<1x128xf32, #tpu.memory_space<vmem>>, %arg7: memref<200x128xf32, #tpu.memory_space<vmem>>) attributes {dimension_semantics = [#tpu.dimension_semantics<arbitrary>], iteration_bounds = array<i64: 50>, scalar_prefetch = 0 : i64, scratch_operands = 0 : i64, tpu.core_type = #tpu.core_type<tc>, window_params = [{transform_indices = @transform_0, window_bounds = array<i64: 200, 64, 16>}, {transform_indices = @transform_1, window_bounds = array<i64: 12800, 128>}, {pipeline_mode = #tpu.pipeline_mode<synchronous>, transform_indices = @transform_2, window_bounds = array<i64: 16, 128>}, {pipeline_mode = #tpu.pipeline_mode<synchronous>, transform_indices = @transform_3, window_bounds = array<i64: 1, 128>}, {pipeline_mode = #tpu.pipeline_mode<synchronous>, transform_indices = @transform_4, window_bounds = array<i64: 128, 128>}, {pipeline_mode = #tpu.pipeline_mode<synchronous>, transform_indices = @transform_5, window_bounds = array<i64: 1, 128>}, {transform_indices = @transform_6, window_bounds = array<i64: 200, 128>}]} {
    %get3A = arith.constant 0 : index
    %get3A_0 = arith.constant 0 : index
    %get3A_1 = arith.constant 0 : index
    %get3A_2 = vector.load %arg1[%get3A, %get3A_0, %get3A_1] : memref<200x64x16xf32, #tpu.memory_space<vmem>>, vector<200x64x16xf32>
    %reshape3A = vector.shape_cast %get3A_2 : vector<200x64x16xf32> to vector<12800x16xf32>
    %get3A_3 = arith.constant 0 : index
    %get3A_4 = arith.constant 0 : index
    %get3A_5 = vector.load %arg3[%get3A_3, %get3A_4] : memref<16x128xf32, #tpu.memory_space<vmem>>, vector<16x128xf32>
    %dot_general3A = arith.constant dense<0.000000e+00> : vector<12800x128xf32>
    %dot_general3A_6 = tpu.matmul %reshape3A, %get3A_5, %dot_general3A {dimension_numbers = #tpu.dot_dimension_numbers<[1], [0], [0], [1], [0, 0, 1, 1], [], []>, transpose_lhs_hint = false} : vector<12800x16xf32>, vector<16x128xf32>, vector<12800x128xf32> -> vector<12800x128xf32>
    %get3A_7 = arith.constant 0 : index
    %get3A_8 = arith.constant 0 : index
    %get3A_9 = vector.load %arg4[%get3A_7, %get3A_8] : memref<1x128xf32, #tpu.memory_space<vmem>>, vector<1x128xf32>
    %add3A = vector.broadcast %get3A_9 : vector<1x128xf32> to vector<12800x128xf32>
    %add3A_10 = arith.addf %dot_general3A_6, %add3A : vector<12800x128xf32>
    %mul3A = arith.constant 1.44269502 : f32
    %mul3A_11 = vector.broadcast %mul3A : f32 to vector<12800x128xf32>
    %mul3A_12 = arith.mulf %add3A_10, %mul3A_11 : vector<12800x128xf32>
    %exp23A = math.exp2 %mul3A_12 : vector<12800x128xf32>
    %add3A_13 = arith.constant 1.000000e+00 : f32
    %add3A_14 = vector.broadcast %add3A_13 : f32 to vector<12800x128xf32>
    %add3A_15 = arith.addf %add3A_14, %exp23A : vector<12800x128xf32>
    %log3A = math.log %add3A_15 : vector<12800x128xf32>
    %log3A_16 = arith.constant 2.000000e+00 : f32
    %log3A_17 = math.log %log3A_16 : f32
    %div3A = vector.broadcast %log3A_17 : f32 to vector<12800x128xf32>
    %div3A_18 = arith.divf %log3A, %div3A : vector<12800x128xf32>
    %mul3A_19 = arith.constant 0.693147182 : f32
    %mul3A_20 = vector.broadcast %mul3A_19 : f32 to vector<12800x128xf32>
    %mul3A_21 = arith.mulf %div3A_18, %mul3A_20 : vector<12800x128xf32>
    %get3A_22 = arith.constant 0 : index
    %get3A_23 = arith.constant 0 : index
    %get3A_24 = vector.load %arg5[%get3A_22, %get3A_23] : memref<128x128xf32, #tpu.memory_space<vmem>>, vector<128x128xf32>
    %dot_general3A_25 = arith.constant dense<0.000000e+00> : vector<12800x128xf32>
    %dot_general3A_26 = tpu.matmul %mul3A_21, %get3A_24, %dot_general3A_25 {dimension_numbers = #tpu.dot_dimension_numbers<[1], [0], [0], [1], [0, 0, 1, 1], [], []>, transpose_lhs_hint = false} : vector<12800x128xf32>, vector<128x128xf32>, vector<12800x128xf32> -> vector<12800x128xf32>
    %get3A_27 = arith.constant 0 : index
    %get3A_28 = arith.constant 0 : index
    %get3A_29 = vector.load %arg6[%get3A_27, %get3A_28] : memref<1x128xf32, #tpu.memory_space<vmem>>, vector<1x128xf32>
    %add3A_30 = vector.broadcast %get3A_29 : vector<1x128xf32> to vector<12800x128xf32>
    %add3A_31 = arith.addf %dot_general3A_26, %add3A_30 : vector<12800x128xf32>
    %get3A_32 = arith.constant 0 : index
    %get3A_33 = arith.constant 0 : index
    %get3A_34 = vector.load %arg2[%get3A_32, %get3A_33] : memref<12800x128xf32, #tpu.memory_space<vmem>>, vector<12800x128xf32>
    %mul3A_35 = arith.mulf %get3A_34, %add3A_31 : vector<12800x128xf32>
    %reshape3A_36 = vector.shape_cast %mul3A_35 : vector<12800x128xf32> to vector<200x64x128xf32>
    %reduce_sum3A = arith.constant dense<0.000000e+00> : vector<200x128xf32>
    %reduce_sum3A_37 = vector.multi_reduction <add>, %reshape3A_36, %reduce_sum3A [1] : vector<200x64x128xf32> to vector<200x128xf32>
    %swap3A = arith.constant 0 : index
    %swap3A_38 = arith.constant 0 : index
    %swap3A_39 = vector.load %arg7[%swap3A, %swap3A_38] : memref<200x128xf32, #tpu.memory_space<vmem>>, vector<200x128xf32>
    tpu.vector_store %arg7[%swap3A, %swap3A_38], %reduce_sum3A_37 {strides = array<i32>} : memref<200x128xf32, #tpu.memory_space<vmem>>, vector<200x128xf32>,
    return
  }
  func.func @transform_0(%arg0: i32) -> (i32, i32, i32) {
    %c0_i32 = arith.constant 0 : i32
    %c0_i32_0 = arith.constant 0 : i32
    %c0_i32_1 = arith.constant 0 : i32
    return %arg0, %c0_i32, %c0_i32_0 : i32, i32, i32
  }
  func.func @transform_1(%arg0: i32) -> (i32, i32) {
    %c0_i32 = arith.constant 0 : i32
    %c0_i32_0 = arith.constant 0 : i32
    return %arg0, %c0_i32 : i32, i32
  }
  func.func @transform_2(%arg0: i32) -> (i32, i32) {
    %c0_i32 = arith.constant 0 : i32
    %c0_i32_0 = arith.constant 0 : i32
    %c0_i32_1 = arith.constant 0 : i32
    return %c0_i32, %c0_i32_0 : i32, i32
  }
  func.func @transform_3(%arg0: i32) -> (i32, i32) {
    %c0_i32 = arith.constant 0 : i32
    %c0_i32_0 = arith.constant 0 : i32
    %c0_i32_1 = arith.constant 0 : i32
    return %c0_i32, %c0_i32_0 : i32, i32
  }
  func.func @transform_4(%arg0: i32) -> (i32, i32) {
    %c0_i32 = arith.constant 0 : i32
    %c0_i32_0 = arith.constant 0 : i32
    %c0_i32_1 = arith.constant 0 : i32
    return %c0_i32, %c0_i32_0 : i32, i32
  }
  func.func @transform_5(%arg0: i32) -> (i32, i32) {
    %c0_i32 = arith.constant 0 : i32
    %c0_i32_0 = arith.constant 0 : i32
    %c0_i32_1 = arith.constant 0 : i32
    return %c0_i32, %c0_i32_0 : i32, i32
  }
  func.func @transform_6(%arg0: i32) -> (i32, i32) {
    %c0_i32 = arith.constant 0 : i32
    %c0_i32_0 = arith.constant 0 : i32
    return %arg0, %c0_i32 : i32, i32
  }
}

</mosaic_0001>

<sc_bundles>
// kernel: kernel.4.cloned.1.call-start
scs
__scs_entry_jumppad:
0x0: {  	(pc) =	sbr.rel $0x88, $3  }
0x1: {  	(tag) =	ssettag $0x0;
	lr =	simm.s32 $0x1  }
0x2: {  	[smem:$0x3F9A] =	sst lr;
	_ =	strace $0xD0000000  }
0x3: {  	_ = 	snop  }
0x4: {  	_ = 	snop  }
0x5: {  	_ = 	snop  }
0x6: {  	_ = 	snop  }
0x7: {  	_ = 	snop  }
__scs_overlays_trampoline_lowered:
0x8: {  	[smem:$0x3FA9] =	sst s0  }
0x9: {  	[smem:$0x3FAA] =	sst s1  }
0xa: {  	[smem:$0x3FAB] =	sst s2  }
0xb: {  	[smem:$0x3FAC] =	sst s3  }
0xc: {  	[smem:$0x3FAD] =	sst s4  }
0xd: {  	[smem:$0x3FAE] =	sst s5  }
0xe: {  	[smem:$0x3FAF] =	sst s6  }
0xf: {  	[smem:$0x3FB0] =	sst s7  }
0x10: {  	[smem:$0x3FB1] =	sst s8  }
0x11: {  	[smem:$0x3FB2] =	sst s9;
	s0 =	simm.s32 @!p0 $0x0  }
0x12: {  	s1 =	sld [smem:$0x3F98];
	s0 =	simm.s32 @p0 $0x1  }
0x13: {  	[smem:$0x3FB3] =	sst s0;
	s0 =	simm.s32 @!p1 $0x0  }
0x14: {  	s2 =	sld [smem:$0x3F97];
	s0 =	simm.s32 @p1 $0x1  }
0x15: {  	[smem:$0x3FB4] =	sst s0;
	s0 =	simm.s32 @!p2 $0x0  }
0x16: {  	s3 =	sld [smem:$0x3FDB];
	s0 =	simm.s32 @p2 $0x1  }
0x17: {  	s4 =	simm.s32 $0x1BF5;
	[smem:$0x3FB6] =	sst s0  }
0x18: {  	s0 =	sld [smem:$0x3F99];
	_ =	swait.ge [sflag:s4], $0x0  }
0x19: {  	s7 =	sld [smem:$0x3F9A]  }
0x1a: {  	s8 =	sadd.s32 $0xFFFFE003, lr  }
0x1b: {  	s9 =	sadd.s32 $0xFFFFFEF7, lr;
	s5 =	simm.s32 $0xFFFFFFFF;
	p2 =	slt.u32 s8, $0xFFFFF086  }
0x1c: {  	p1 =	slt.u32 s9, $0xF7A;
	s5 =	simm.s32 @!p2 $0x0  }
0x1d: {  	s5 =	simm.s32 @p1 $0x1;
	p0 =	seq.s32 s7, s2  }
0x1e: {  	s7 =	smul.u32 @!p0 $0xF7A, s2;
	p2 =	seq.s32 @!p0 s5, $0x0  }
0x1f: {  	s9 =	smul.u32 $0xF7A, s1;
	s8 =	simm.s32 @!p0 $0x1BF5;
	p2 =	por !p2, p0  }
0x20: {  	[sflag:s8] =	ssyncset.s32 @!p0 $0xFFFFF086;
	s6 =	sadd.s32 @!p0 s3, s7;
	s7 =	simm.s32 @!p0 $0x108  }
0x21: {  	s3 =	sadd.s32 s3, s9;
	s6 =	sadd.s32 @!p0 $0x88, s6;
	s7 =	simm.s32 @p2 $0x1082  }
0x22: {  	[simem:s7], [sflag:s8] =	dma.local @!p0 [hbm:s6], $0xF7A  }
0x23: {  	s9 =	sor.u32 $0xD0000000, s2;
	s6 =	simm.s32 $0x108;
	_ =	swait.ge @!p0 [sflag:s8], $0x0  }
0x24: {  	s3 =	sadd.s32 $0x88, s3;
	s6 =	simm.s32 @!p1 $0x1082;
	[sflag:s4] =	ssyncset.s32 $0xFFFFF086  }
0x25: {  	[simem:s6], [sflag:s4] =	dma.local [hbm:s3], $0xF7A  }
0x26: {  	[smem:$0x3F9A] =	sst s1;
	(tag) =	ssettag s2;
	_ =	strace s9  }
0x27: {  	s1 =	sld [smem:$0x3FAA]  }
0x28: {  	s2 =	sld [smem:$0x3FAB]  }
0x29: {  	s4 =	sld [smem:$0x3FAD]  }
0x2a: {  	p0 =	seq.s32 s5, $0x0;
	s5 =	sld [smem:$0x3FAE]  }
0x2b: {  	s6 =	sld [smem:$0x3FAF]  }
0x2c: {  	s7 =	sld [smem:$0x3FB0]  }
0x2d: {  	s3 =	simm.s32 $0x108;
	s8 =	sld [smem:$0x3FB1]  }
0x2e: {  	s3 =	simm.s32 @!p0 $0x1082;
	s9 =	sld [smem:$0x3FB2]  }
0x2f: {  	lr =	sadd.s32 s0, s3;
	s0 =	sld [smem:$0x3FA9]  }
0x30: {  	s3 =	sld [smem:$0x3FAC]  }
0x31: {  	[smem:$0x3FB5] =	sst s10  }
0x32: {  	s10 =	sld [smem:$0x3FB3];
	_ =	sdelay $0x3  }
0x33: {  	p0 =	seq.s32 s10, $0x1;
	s10 =	sld [smem:$0x3FB5];
	_ =	sdelay $0x3  }
0x34: {  	[smem:$0x3FB5] =	sst s10  }
0x35: {  	s10 =	sld [smem:$0x3FB4];
	_ =	sdelay $0x3  }
0x36: {  	p1 =	seq.s32 s10, $0x1;
	s10 =	sld [smem:$0x3FB5];
	_ =	sdelay $0x3  }
0x37: {  	[smem:$0x3FB5] =	sst s10  }
0x38: {  	s10 =	sld [smem:$0x3FB6]  }
0x39: {  	_ = 	snop;
	(pc) =	sbr.ind lr, $3  }
0x3a: {  	_ = 	snop  }
0x3b: {  	_ = 	snop  }
0x3c: {  	p2 =	seq.s32 s10, $0x1;
	s10 =	sld [smem:$0x3FB5]  }
0x3d: {  	_ =	shalt  }
0x3e: {  	_ =	shalt  }
0x3f: {  	_ =	shalt  }
0x40: {  	_ =	shalt  }
0x41: {  	_ =	shalt  }
0x42: {  	_ =	shalt  }
0x43: {  	_ =	shalt  }
0x44: {  	_ =	shalt  }
0x45: {  	_ =	shalt  }
0x46: {  	_ =	shalt  }
0x47: {  	_ =	shalt  }
0x48: {  	_ =	shalt  }
0x49: {  	_ =	shalt  }
0x4a: {  	_ =	shalt  }
0x4b: {  	_ =	shalt  }
0x4c: {  	_ =	shalt  }
0x4d: {  	_ =	shalt  }
0x4e: {  	_ =	shalt  }
0x4f: {  	_ =	shalt  }
0x50: {  	_ =	shalt  }
0x51: {  	_ =	shalt  }
0x52: {  	_ =	shalt  }
0x53: {  	_ =	shalt  }
0x54: {  	_ =	shalt  }
0x55: {  	_ =	shalt  }
0x56: {  	_ =	shalt  }
0x57: {  	_ =	shalt  }
0x58: {  	_ =	shalt  }
0x59: {  	_ =	shalt  }
0x5a: {  	_ =	shalt  }
0x5b: {  	_ =	shalt  }
0x5c: {  	_ =	shalt  }
0x5d: {  	_ =	shalt  }
0x5e: {  	_ =	shalt  }
0x5f: {  	_ =	shalt  }
0x60: {  	_ =	shalt  }
0x61: {  	_ =	shalt  }
0x62: {  	_ =	shalt  }
0x63: {  	_ =	shalt  }
0x64: {  	_ =	shalt  }
0x65: {  	_ =	shalt  }
0x66: {  	_ =	shalt  }
0x67: {  	_ =	shalt  }
0x68: {  	_ =	shalt  }
0x69: {  	_ =	shalt  }
0x6a: {  	_ =	shalt  }
0x6b: {  	_ =	shalt  }
0x6c: {  	_ =	shalt  }
0x6d: {  	_ =	shalt  }
0x6e: {  	_ =	shalt  }
0x6f: {  	_ =	shalt  }
0x70: {  	_ =	shalt  }
0x71: {  	_ =	shalt  }
0x72: {  	_ =	shalt  }
0x73: {  	_ =	shalt  }
0x74: {  	_ =	shalt  }
0x75: {  	_ =	shalt  }
0x76: {  	_ =	shalt  }
0x77: {  	_ =	shalt  }
0x78: {  	_ =	shalt  }
0x79: {  	_ =	shalt  }
0x7a: {  	_ =	shalt  }
0x7b: {  	_ =	shalt  }
0x7c: {  	_ =	shalt  }
0x7d: {  	_ =	shalt  }
0x7e: {  	_ =	shalt  }
0x7f: {  	_ =	shalt  }
0x80: {  	_ =	shalt  }
0x81: {  	_ =	shalt  }
0x82: {  	_ =	shalt  }
0x83: {  	_ =	shalt  }
0x84: {  	_ =	shalt  }
0x85: {  	_ =	shalt  }
0x86: {  	_ =	shalt  }
0x87: {  	_ =	shalt  }
.Lfunc_end0:
.L_simem_size_0:
called_computation_lowered:
.L_overlay_start_0:
0x88: {  	s2 =	sld [smem:$0x3FD9]  }
0x89: {  	s3 =	sld [smem:$0x3FFE];
	_ =	sdelay $0x1  }
0x8a: {  	s1 =	srdreg.scid  }
0x8b: {  	s0 =	sand.u32 $0x1, s1  }
0x8c: {  	s17 =	sshll.u32 s0, $0xA;
	s2 =	sadd.s32 s3, s2  }
0x8d: {  	s2 =	sadd.s32 s2, s17  }
0x8e: {  	[smem:$0x3FC1] =	sst s2  }
0x8f: {  	_ = 	snop  }
0x90: {  	s2 =	sld [smem:$0x3FC9]  }
0x91: {  	s18 =	sld [smem:$0x3FD0];
	(tm) =	ssettm $0x1  }
0x92: {  	s4 =	sld [smem:$0x3FFB];
	_ =	sdelay $0x3  }
0x93: {  	_ =	strace s4  }
0x94: {  	s4 =	sld [smem:$0x3FFC];
	_ =	sdelay $0x3  }
0x95: {  	_ =	strace s4  }
0x96: {  	s4 =	sld [smem:$0x3FFD];
	_ =	sdelay $0x3  }
0x97: {  	_ =	strace s4  }
0x98: {  	_ =	strace $0x8FFFFFFF  }
0x99: {  	s19 =	sld [smem:$0x3FDB];
	_ =	sdelay $0x1  }
0x9a: {  	s5 =	simm.s32 $_scs_section_size  }
0x9b: {  	s6 =	simm.s32 $_size__tile_overlayer_lowered;
	s7 =	simm.s32 $_tile_overlayer_lowered  }
0x9c: {  	s22 =	simm.s32 $0x1BFF;
	s21 =	sshll.u32 s7, $0x1;
	s4 =	sadd.s32 s5, s19  }
0x9d: {  	s8 =	simm.s32 $0x0;
	s20 =	sshll.u32 s6, $0x1;
	s6 =	sadd.s32 s21, s4  }
0x9e: {  	[timem:s8], [sflag:s22] =	dma.local [hbm:s6], s20  }
0x9f: {  	_ =	swait.ge [sflag:s22], s20  }
0xa0: {  	s5 =	ssub.s32 $0x0, s20;
	[sflag:s22] =	ssyncset.done $0x0  }
0xa1: {  	[sflag:s22] =	ssyncadd.s32 s5;
	_ =	sdelay $0x1  }
0xa2: {  	s23 =	simm.s32 $0x1B8B  }
0xa3: {  	_ =	swait.ge [sflag:s23], $0x1  }
0xa4: {  	[sflag:s23] =	ssyncset.done $0x0  }
0xa5: {  	s25 =	simm.s32 $0x1B8E;
	s24 =	sld [smem:$0x3FFE];
	[sflag:s23] =	ssyncadd.s32 $0xFFFFFFFF  }
0xa6: {  	s26 =	simm.s32 $execute0_lowered;
	[smem:$0x3FD2] =	sst s25  }
0xa7: {  	s6 =	sshll.u32 s26, $0x1;
	_ =	strace $0x80000046;
	[dreg:$0x1] =	wrdreg $0xFFFFFFFF  }
0xa8: {  	s28 =	simm.s32 $_size_execute0_lowered;
	s4 =	sadd.s32 s4, s6;
	[dreg:$0x0] =	wrdreg $0x0  }
0xa9: {  	s6 =	sshll.u32 s28, $0x1;
	[dreg:$0x2] =	wrdreg s4  }
0xaa: {  	[dreg:$0x3] =	wrdreg s6  }
0xab: {  	[dreg:$0x4] =	wrdreg $0xC0  }
0xac: {  	_ =	task [dreg:s8], $0x5FFFF  }
0xad: {  	[dreg:$0x1] =	wrdreg $0xFFFFFFFF  }
0xae: {  	[dreg:$0x0] =	wrdreg $0x60  }
0xaf: {  	[dreg:$0x2] =	wrdreg s2  }
0xb0: {  	[dreg:$0x3] =	wrdreg s18  }
0xb1: {  	[dreg:$0x4] =	wrdreg s24  }
0xb2: {  	[dreg:$0x5] =	wrdreg $0x9  }
0xb3: {  	_ =	task.clear_ibuf [dreg:s8], $0x6FFFF;
	_ =	strace $0x90000046  }
0xb4: {  	s29 =	simm.s32 $0x9;
	_ =	strace $0x80000048  }
0xb5: {  	_ =	swait.ge [sflag:s29], $0x1  }
0xb6: {  	[sflag:s29] =	ssyncadd.s32 $0xFFFFFFFF  }
0xb7: {  	_ =	strace $0x90000048  }
0xb8: {  	_ =	sfence  }
0xb9: {  	s30 =	sld [smem:$0x0];
	_ =	sdelay $0x2  }
0xba: {  	s31 =	sshll.u32 s1, $0xD;
	s1 =	sshrl.u32 s1, $0x2  }
0xbb: {  	s3 =	sand.u32 $0x4000, s31;
	s1 =	sadd.s32 s1, s30  }
0xbc: {  	s0 =	sor.u32 s3, s0;
	s1 =	sshll.u32 s1, $0x11  }
0xbd: {  	s0 =	sor.u32 s1, s0  }
0xbe: {  	s0 =	sadd.s32 $0x8F2B, s0  }
0xbf: {  	[sflag:s0] =	ssyncadd.remote.s32 $0x1  }
0xc0: {  	_ =	sfence.sel $0xFFFF  }
0xc1: {  	[dreg:$0x0] =	wrdreg $0xFFFFFFFF;
	(pc) =	sbr.abs _section_cstart, $3  }
0xc2: {  	[dreg:$0x1] =	wrdreg $0xFFFFFFFF  }
0xc3: {  	_ =	task.clear_ibuf [dreg:s8], $0x2FFFF;
	_ =	strace $0x9FFFFFFF  }
0xc4: {  	(tm) =	ssettm $0x7FFFFFFF  }
0xc5: {  	_ =	shalt  }
tec
execute0_lowered:
.L_overlay_start_1:
0x0: {  	(tag) =	ssettag $0x1  }
0x1: {  	s1 =	rddreg [dreg:$0x0]  }
0x2: {  	s4 =	rddreg [dreg:$0x1]  }
0x3: {  	s5 =	rddreg [dreg:$0x2]  }
0x4: {  	s2 =	srdreg.scid;
	s0 =	rddreg [dreg:$0x3]  }
0x5: {  	s3 =	simm.s32 $0x0;
	s12 =	simm.s32 $0x100;
	s13 =	simm.s32 $0xD000  }
0x6: {  	s14 =	simm.s32 $0x180;
	s15 =	simm.s32 $0xF800;
	s16 =	simm.s32 $0x200  }
0x7: {  	s17 =	simm.s32 $0x12000;
	s18 =	simm.s32 $0x1;
	s19 =	simm.s32 $0x2  }
0x8: {  	s20 =	simm.s32 $0x3;
	s21 =	simm.s32 $0x4;
	s22 =	simm.s32 $0x5  }
0x9: {  	s23 =	simm.s32 $0x0;
	s6 =	sand.u32 $0x1, s2;
	s2 =	stileid.u32  }
0xa: {  	[smem:$0x7FF] =	sst s3;
	s7 =	ssub.s32 $0x2, s6;
	s8 =	smul.u32 $0x9C400, s2  }
0xb: {  	_ =	strace $0x80000047;
	s11 =	sshll.u32 s6, $0xC;
	s6 =	smul.u32 $0x4E200, s6  }
.Ltmp0:
0xc: {  	s10 =	sshll.u32 s2, $0xD;
	s9 =	sshrl.u32 s7, $0x1;
	(pc) =	sbr.rel .LBB2_1-.Ltmp0, $4  }
0xd: {  	s31 =	sor.u32 s11, s10;
	s10 =	simm.s32 $0x80;
	s11 =	simm.s32 $0xA800  }
0xe: {  	s8 =	sadd.s32 s8, s5;
	s30 =	ssub.s32 s7, s9;
	s4 =	sadd.s32 s4, s31  }
0xf: {  	s7 =	simm.s32 $0x6;
	s9 =	simm.s32 $0x8000;
	s6 =	sadd.s32 s6, s8  }
0x10: {  	s5 =	smax.u32 s30, $0x1;
	s8 =	simm.s32 $0x50;
	s6 =	sadd.s32 $0x2000, s6  }
.LBB2_4:
0x11: {  	s23 =	sadd.s32 $0x1, s23  }
0x12: {  	p0 =	sne.s32 s23, s5  }
.Ltmp1:
0x13: {  	_ = 	snop;
	(pc) =	sbr.rel @!p0 .LBB2_5-.Ltmp1, $1  }
0x14: {  	_ =	sdelay $0x3  }
.LBB2_1:
0x15: {  	[tilespmem:s3], [sflag:$0x6] =	stream.linear.gather [hbm4b:s4+s3], $0x7D00, $0x38;
	[tilespmem:$0x14800] =	vst v63  }
0x16: {  	_ =	swait.ge [sflag:s7], $0x7D00  }
0x17: {  	[sflag:s7] =	ssyncset.done $0x0  }
0x18: {  	[sflag:s7] =	ssyncadd.s32 $0xFFFF8300  }
0x19: {  	[tilespmem:s9], [sflag:$0x1] =	stream.indirect.gather [hbm4b:s1+s8], $0x80, s3, s8, $0xb8;
	[tilespmem:$0x14800] =	vst v63  }
0x1a: {  	_ = 	snop  }
0x1b: {  	[tilespmem:s11], [sflag:$0x2] =	stream.indirect.gather [hbm4b:s1+s8], $0x80, s10, s8, $0xb8;
	[tilespmem:$0x14800] =	vst v63  }
0x1c: {  	_ = 	snop  }
0x1d: {  	[tilespmem:s13], [sflag:$0x3] =	stream.indirect.gather [hbm4b:s1+s8], $0x80, s12, s8, $0xb8;
	[tilespmem:$0x14800] =	vst v63  }
0x1e: {  	_ = 	snop  }
0x1f: {  	[tilespmem:s15], [sflag:$0x4] =	stream.indirect.gather [hbm4b:s1+s8], $0x80, s14, s8, $0xb8;
	[tilespmem:$0x14800] =	vst v63  }
0x20: {  	s24 =	smov.u32 s6;
	s25 =	simm.s32 $0x0  }
0x21: {  	[tilespmem:s17], [sflag:$0x5] =	stream.indirect.gather [hbm4b:s1+s8], $0x80, s16, s8, $0xb8;
	[tilespmem:$0x14800] =	vst v63  }
.LBB2_2:
0x22: {  	_ =	swait.ge [sflag:s18], $0x2800  }
0x23: {  	[sflag:s18] =	ssyncset.done $0x0  }
0x24: {  	s26 =	sadd.s32 $0xFFFFEC00, s24;
	[sflag:s18] =	ssyncadd.s32 $0xFFFFD800  }
0x25: {  	[hbm4b:s26+s3] =	stream.linear.scatter [tilespmem:s9], [sflag:$0x6], $0x2800, $0x38;
	[tilespmem:$0x14800] =	vst v63  }
0x26: {  	p0 =	seq.s32 s25, $0x1EA00;
	_ =	swait.ge [sflag:s7], $0x2800  }
0x27: {  	s29 =	simm.s32 @!p0 $0x50;
	s26 =	sshra.s32 @!p0 s25, $0x2;
	[sflag:s7] =	ssyncset.done $0x0  }
0x28: {  	s30 =	simm.s32 @!p0 $0x8000;
	s28 =	sadd.s32 @!p0 $0x280, s26;
	[sflag:s7] =	ssyncadd.s32 $0xFFFFD800  }
0x29: {  	[tilespmem:s30], [sflag:$0x1] =	stream.indirect.gather @!p0 [hbm4b:s1+s29], $0x80, s28, s29, $0xb8;
	[tilespmem:$0x14800] =	vst v63  }
0x2a: {  	_ =	swait.ge [sflag:s19], $0x2800  }
0x2b: {  	[sflag:s19] =	ssyncset.done $0x0  }
0x2c: {  	s31 =	sadd.s32 $0xFFFFF100, s24;
	[sflag:s19] =	ssyncadd.s32 $0xFFFFD800  }
0x2d: {  	[hbm4b:s31+s3] =	stream.linear.scatter [tilespmem:s11], [sflag:$0x6], $0x2800, $0x38;
	[tilespmem:$0x14800] =	vst v63  }
0x2e: {  	_ =	swait.ge [sflag:s7], $0x2800  }
0x2f: {  	[sflag:s7] =	ssyncset.done $0x0  }
0x30: {  	s28 =	sadd.s32 @!p0 $0x300, s26;
	s30 =	simm.s32 @!p0 $0xA800;
	[sflag:s7] =	ssyncadd.s32 $0xFFFFD800  }
0x31: {  	[tilespmem:s30], [sflag:$0x2] =	stream.indirect.gather @!p0 [hbm4b:s1+s29], $0x80, s28, s29, $0xb8;
	[tilespmem:$0x14800] =	vst v63  }
0x32: {  	_ =	swait.ge [sflag:s20], $0x2800  }
0x33: {  	[sflag:s20] =	ssyncset.done $0x0  }
0x34: {  	s30 =	sadd.s32 $0xFFFFF600, s24;
	[sflag:s20] =	ssyncadd.s32 $0xFFFFD800  }
0x35: {  	[hbm4b:s30+s3] =	stream.linear.scatter [tilespmem:s13], [sflag:$0x6], $0x2800, $0x38;
	[tilespmem:$0x14800] =	vst v63  }
0x36: {  	_ =	swait.ge [sflag:s7], $0x2800  }
0x37: {  	[sflag:s7] =	ssyncset.done $0x0  }
0x38: {  	s28 =	sadd.s32 @!p0 $0x380, s26;
	s30 =	simm.s32 @!p0 $0xD000;
	[sflag:s7] =	ssyncadd.s32 $0xFFFFD800  }
0x39: {  	[tilespmem:s30], [sflag:$0x3] =	stream.indirect.gather @!p0 [hbm4b:s1+s29], $0x80, s28, s29, $0xb8;
	[tilespmem:$0x14800] =	vst v63  }
0x3a: {  	_ =	swait.ge [sflag:s21], $0x2800  }
0x3b: {  	[sflag:s21] =	ssyncset.done $0x0  }
0x3c: {  	s31 =	sadd.s32 $0xFFFFFB00, s24;
	[sflag:s21] =	ssyncadd.s32 $0xFFFFD800  }
0x3d: {  	[hbm4b:s31+s3] =	stream.linear.scatter [tilespmem:s15], [sflag:$0x6], $0x2800, $0x38;
	[tilespmem:$0x14800] =	vst v63  }
0x3e: {  	_ =	swait.ge [sflag:s7], $0x2800  }
0x3f: {  	[sflag:s7] =	ssyncset.done $0x0  }
0x40: {  	s26 =	sadd.s32 @!p0 $0x400, s26;
	s28 =	simm.s32 @!p0 $0xF800;
	[sflag:s7] =	ssyncadd.s32 $0xFFFFD800  }
0x41: {  	[tilespmem:s28], [sflag:$0x4] =	stream.indirect.gather @!p0 [hbm4b:s1+s29], $0x80, s26, s29, $0xb8;
	[tilespmem:$0x14800] =	vst v63  }
0x42: {  	_ =	swait.ge [sflag:s22], $0x2800  }
0x43: {  	[sflag:s22] =	ssyncset.done $0x0  }
.Ltmp2:
0x44: {  	[sflag:s22] =	ssyncadd.s32 $0xFFFFD800;
	(pc) =	sbr.rel @p0 .LBB2_4-.Ltmp2, $4  }
0x45: {  	[hbm4b:s24+s3] =	stream.linear.scatter [tilespmem:s17], [sflag:$0x6], $0x2800, $0x38;
	[tilespmem:$0x14800] =	vst v63  }
0x46: {  	_ =	swait.ge [sflag:s7], $0x2800  }
0x47: {  	[sflag:s7] =	ssyncset.done $0x0  }
0x48: {  	[sflag:s7] =	ssyncadd.s32 $0xFFFFD800  }
.Ltmp3:
0x49: {  	(pc) =	sbr.rel .LBB2_2-.Ltmp3, $4  }
0x4a: {  	_ = 	snop  }
0x4b: {  	s26 =	sshra.s32 s25, $0x2  }
0x4c: {  	s25 =	sadd.s32 $0xA00, s25;
	s24 =	sadd.s32 $0x1900, s24;
	s26 =	sadd.s32 $0x480, s26  }
0x4d: {  	[tilespmem:s17], [sflag:$0x5] =	stream.indirect.gather [hbm4b:s1+s8], $0x80, s26, s8, $0xb8;
	[tilespmem:$0x14800] =	vst v63  }
.LBB2_5:
0x4e: {  	_ =	sfence.sel $0x180000  }
0x4f: {  	[bflag:$0x0] =	sbarrier.arrive $0xFFFF  }
0x50: {  	p0 =	sne.s32 s2, $0x0;
	_ =	strace $0x90000047  }
0x51: {  	s0 =	sadd.s32 @!p0 $0x100000, s0;
	[bflag:$0x2] =	sbarrier.arrive $0xFFFF  }
0x52: {  	[sflag:s0] =	ssyncadd.tile.s32 @!p0 $0x1;
	_ =	shalt  }
.Lfunc_end2:
_tile_overlayer_lowered:
.L_overlay_start_2:
0x53: {  	(tag) =	ssettag $0x2  }
0x54: {  	s0 =	rddreg [dreg:$0x0];
	s2 =	stileid.u32  }
0x55: {  	s1 =	rddreg [dreg:$0x1];
	p0 =	sne.s32 s2, $0x0  }
0x56: {  	s3 =	rddreg [dreg:$0x2];
	[bflag:$0x3] =	sbarrier.arrive $0xFFFF;
	s2 =	simm.s32 @!p0 $0x1C06  }
0x57: {  	[timem:s3], [sflag:s2] =	dma.local @!p0 [hbm:s0], s1  }
0x58: {  	s0 =	simm.s32 @!p0 $0x6  }
0x59: {  	_ =	swait.ge @!p0 [sflag:s0], s1  }
0x5a: {  	s1 =	ssub.s32 @!p0 $0x0, s1;
	[sflag:s0] =	ssyncset.done @!p0 $0x0  }
0x5b: {  	[sflag:s0] =	ssyncadd.s32 @!p0 s1  }
0x5c: {  	[bflag:$0x3] =	sbarrier.arrive $0xFFFF  }
0x5d: {  	_ =	shalt  }

</sc_bundles>
